<compile_context>
chip_gen: v7x
topology: tpu7x:2x2x1
jax: 0.10.2.dev20260603
libtpu: 0.0.44.dev20260713+nightly
codegen_flags: <defaults>
</compile_context>

<pallas_src>
import functools

import jax
import jax.numpy as jnp
from jax import lax
from jax.experimental import pallas as pl
from jax.experimental.pallas import tpu as pltpu
from jax.experimental.pallas import tpu_sc as plsc

NUM_ENTITIES = 100
EMB_DIM = 3
BATCH = 16384

_NC, _NS, _L = 1, 16, 16
_NW = _NC * _NS
_B_PER_W = BATCH // _NW
_CHUNKS = _B_PER_W // _L
_OUT_PER_W = _B_PER_W * EMB_DIM
_TBL_PAD = 300


@functools.lru_cache(maxsize=None)
def _make_sc_kernel():
  mesh = plsc.VectorSubcoreMesh(core_axis_name="c", subcore_axis_name="s",
                                num_cores=_NC)

  @functools.partial(
      pl.kernel,
      mesh=mesh,
      out_type=jax.ShapeDtypeStruct((BATCH * EMB_DIM,), jnp.float32),
      compiler_params=pltpu.CompilerParams(needs_layout_passes=False),
      scratch_types=[
          pltpu.VMEM((_B_PER_W,), jnp.int32),
          pltpu.VMEM((_B_PER_W,), jnp.int32),
          pltpu.VMEM((_TBL_PAD,), jnp.float32),
          pltpu.VMEM((_TBL_PAD,), jnp.float32),
          pltpu.VMEM((_OUT_PER_W,), jnp.float32),
          pltpu.SemaphoreType.DMA,
          pltpu.SemaphoreType.DMA,
          pltpu.SemaphoreType.DMA,
          pltpu.SemaphoreType.DMA,
      ],
  )
  def sc_kernel(ent_tbl_hbm, rel_tbl_hbm, eids_hbm, pids_hbm, out_hbm,
                eids_v, pids_v, ent_v, rel_v, out_v,
                sem0, sem1, sem2, sem3):
    wid = lax.axis_index("s") * _NC + lax.axis_index("c")
    base = wid * _B_PER_W

    c0 = pltpu.make_async_copy(eids_hbm.at[pl.ds(base, _B_PER_W)], eids_v,
                               sem0)
    c1 = pltpu.make_async_copy(pids_hbm.at[pl.ds(base, _B_PER_W)], pids_v,
                               sem1)
    c2 = pltpu.make_async_copy(ent_tbl_hbm, ent_v, sem2)
    c3 = pltpu.make_async_copy(rel_tbl_hbm, rel_v, sem3)
    c0.start()
    c1.start()
    c2.start()
    c3.start()
    c2.wait()
    c3.wait()
    c0.wait()
    c1.wait()

    iota = lax.broadcasted_iota(jnp.int32, (_L,), 0)

    @plsc.parallel_loop(0, _CHUNKS, unroll=4)
    def chunk(i):
      eid3 = eids_v[pl.ds(i * _L, _L)] * EMB_DIM
      pid3 = pids_v[pl.ds(i * _L, _L)] * EMB_DIM
      oidx = iota * EMB_DIM + i * (_L * EMB_DIM)
      for d in range(EMB_DIM):
        v = (plsc.load_gather(ent_v, [eid3 + d]) +
             plsc.load_gather(rel_v, [pid3 + d]))
        plsc.store_scatter(out_v, [oidx + d], v)

    pltpu.sync_copy(out_v, out_hbm.at[pl.ds(wid * _OUT_PER_W, _OUT_PER_W)])

  return sc_kernel


@jax.jit
def kernel(entity_ids, proj_ids, entity_table, relation_table):
  out_flat = _make_sc_kernel()(entity_table.reshape(-1),
                               relation_table.reshape(-1),
                               entity_ids.astype(jnp.int32),
                               proj_ids.astype(jnp.int32))
  return out_flat.reshape(BATCH, EMB_DIM)

# --- scband reference (transcript-rebuilt; emitter-appended) ---
"""Pipeline reference for scband-trans-e-tnorm-55087250538583 (READ-ONLY COPY).

The authoritative reference and input builder live on the scoring server;
editing this copy changes nothing except your own understanding.
"""

import jax, jax.numpy as jnp
import numpy as np

NUM_ENTITIES = 100
NUM_RELATIONS = 100
EMB_DIM = 3
BATCH = 16384

def setup_inputs(seed: int = 0) -> dict:
    key = jax.random.key(seed)
    k1, k2, k3, k4 = jax.random.split(key, 4)
    entity_ids = jax.random.randint(k1, (BATCH,), 0, NUM_ENTITIES, dtype=jnp.int64 if jax.config.jax_enable_x64 else jnp.int32)
    proj_ids = jax.random.randint(k2, (BATCH,), 0, NUM_RELATIONS, dtype=jnp.int64 if jax.config.jax_enable_x64 else jnp.int32)
    entity_table = jax.random.normal(k3, (NUM_ENTITIES, EMB_DIM), dtype=jnp.float32)
    relation_table = jax.random.normal(k4, (NUM_RELATIONS, EMB_DIM), dtype=jnp.float32)
    return {
        "entity_ids": entity_ids,
        "proj_ids": proj_ids,
        "entity_table": entity_table,
        "relation_table": relation_table,
    }

def reference(entity_ids, proj_ids, entity_table, relation_table):
    # get_entity_embedding: gather from entity table
    emb = jnp.take(entity_table, entity_ids, axis=0)
    # get_projection_embedding: gather from relation table and add (TransE translation)
    out = jnp.take(relation_table, proj_ids, axis=0) + emb
    return out

if __name__ == "__main__":
    import jax
    _d = setup_inputs()
    print(jax.jit(kernel)(*tuple(_d.values())))

</pallas_src>

<mosaic_0001>
#map = affine_map<(d0, d1) -> (0)>
module attributes {stable_mosaic.version = 14 : i64} {
  func.func @sc_kernel(%arg0: i32, %arg1: i32, %arg2: memref<300xf32, #tpu.memory_space<hbm>>, %arg3: memref<300xf32, #tpu.memory_space<hbm>>, %arg4: memref<16384xi32, #tpu.memory_space<hbm>>, %arg5: memref<16384xi32, #tpu.memory_space<hbm>>, %arg6: memref<49152xf32, #tpu.memory_space<hbm>>, %arg7: memref<1024xi32, #tpu.memory_space<vmem>>, %arg8: memref<1024xi32, #tpu.memory_space<vmem>>, %arg9: memref<300xf32, #tpu.memory_space<vmem>>, %arg10: memref<300xf32, #tpu.memory_space<vmem>>, %arg11: memref<3072xf32, #tpu.memory_space<vmem>>, %arg12: memref<!tpu.dma_semaphore, #tpu.memory_space<semaphore_mem>>, %arg13: memref<!tpu.dma_semaphore, #tpu.memory_space<semaphore_mem>>, %arg14: memref<!tpu.dma_semaphore, #tpu.memory_space<semaphore_mem>>, %arg15: memref<!tpu.dma_semaphore, #tpu.memory_space<semaphore_mem>>) attributes {dimension_semantics = [#tpu.dimension_semantics<core_parallel>, #tpu.dimension_semantics<subcore_parallel>], iteration_bounds = array<i64: 1, 16>, scalar_prefetch = 0 : i64, scratch_operands = 9 : i64, tpu.core_type = #tpu.core_type<sc_vector_subcore>, window_params = [{transform_indices = #map}, {transform_indices = #map}, {transform_indices = #map}, {transform_indices = #map}, {transform_indices = #map}]} {
    %mul3A = arith.constant 1 : i32
    %mul3A_0 = arith.muli %arg1, %mul3A : i32
    %add3A = arith.addi %mul3A_0, %arg0 : i32
    %mul3A_1 = arith.constant 1024 : i32
    %mul3A_2 = arith.muli %add3A, %mul3A_1 : i32
    %dma_start3A = tpu.memref_slice %arg4[%mul3A_2] : memref<16384xi32, #tpu.memory_space<hbm>> -> memref<1024xi32, #tpu.memory_space<hbm>>
    %dma_start3A_3 = tpu.memref_slice %arg4[%mul3A_2] : memref<16384xi32, #tpu.memory_space<hbm>> -> memref<1024xi32, #tpu.memory_space<hbm>>
    tpu.enqueue_dma source(%dma_start3A_3 : memref<1024xi32, #tpu.memory_space<hbm>>) target(%arg7 : memref<1024xi32, #tpu.memory_space<vmem>>) target_semaphore(%arg12 : memref<!tpu.dma_semaphore, #tpu.memory_space<semaphore_mem>>)
    %dma_start3A_4 = tpu.memref_slice %arg5[%mul3A_2] : memref<16384xi32, #tpu.memory_space<hbm>> -> memref<1024xi32, #tpu.memory_space<hbm>>
    %dma_start3A_5 = tpu.memref_slice %arg5[%mul3A_2] : memref<16384xi32, #tpu.memory_space<hbm>> -> memref<1024xi32, #tpu.memory_space<hbm>>
    tpu.enqueue_dma source(%dma_start3A_5 : memref<1024xi32, #tpu.memory_space<hbm>>) target(%arg8 : memref<1024xi32, #tpu.memory_space<vmem>>) target_semaphore(%arg13 : memref<!tpu.dma_semaphore, #tpu.memory_space<semaphore_mem>>)
    tpu.enqueue_dma source(%arg2 : memref<300xf32, #tpu.memory_space<hbm>>) target(%arg9 : memref<300xf32, #tpu.memory_space<vmem>>) target_semaphore(%arg14 : memref<!tpu.dma_semaphore, #tpu.memory_space<semaphore_mem>>)
    tpu.enqueue_dma source(%arg3 : memref<300xf32, #tpu.memory_space<hbm>>) target(%arg10 : memref<300xf32, #tpu.memory_space<vmem>>) target_semaphore(%arg15 : memref<!tpu.dma_semaphore, #tpu.memory_space<semaphore_mem>>)
    tpu.wait_dma2 semaphore(%arg14 : memref<!tpu.dma_semaphore, #tpu.memory_space<semaphore_mem>>) src(%arg2 : memref<300xf32, #tpu.memory_space<hbm>>) dst(%arg9 : memref<300xf32, #tpu.memory_space<vmem>>)
    tpu.wait_dma2 semaphore(%arg15 : memref<!tpu.dma_semaphore, #tpu.memory_space<semaphore_mem>>) src(%arg3 : memref<300xf32, #tpu.memory_space<hbm>>) dst(%arg10 : memref<300xf32, #tpu.memory_space<vmem>>)
    %dma_wait3A = tpu.memref_slice %arg4[%mul3A_2] : memref<16384xi32, #tpu.memory_space<hbm>> -> memref<1024xi32, #tpu.memory_space<hbm>>
    %dma_wait3A_6 = tpu.memref_slice %arg4[%mul3A_2] : memref<16384xi32, #tpu.memory_space<hbm>> -> memref<1024xi32, #tpu.memory_space<hbm>>
    tpu.wait_dma2 semaphore(%arg12 : memref<!tpu.dma_semaphore, #tpu.memory_space<semaphore_mem>>) src(%dma_wait3A_6 : memref<1024xi32, #tpu.memory_space<hbm>>) dst(%arg7 : memref<1024xi32, #tpu.memory_space<vmem>>)
    %dma_wait3A_7 = tpu.memref_slice %arg5[%mul3A_2] : memref<16384xi32, #tpu.memory_space<hbm>> -> memref<1024xi32, #tpu.memory_space<hbm>>
    %dma_wait3A_8 = tpu.memref_slice %arg5[%mul3A_2] : memref<16384xi32, #tpu.memory_space<hbm>> -> memref<1024xi32, #tpu.memory_space<hbm>>
    tpu.wait_dma2 semaphore(%arg13 : memref<!tpu.dma_semaphore, #tpu.memory_space<semaphore_mem>>) src(%dma_wait3A_8 : memref<1024xi32, #tpu.memory_space<hbm>>) dst(%arg8 : memref<1024xi32, #tpu.memory_space<vmem>>)
    %iota3A = tpu.iota {dimensions = array<i32: 0>} : vector<16xi32>
    %parallel_loop3A = arith.constant 0 : i32
    %parallel_loop3A_9 = arith.constant 64 : i32
    %parallel_loop3A_10 = arith.constant 1 : i32
    scf.for %parallel_loop3A_13 = %parallel_loop3A to %parallel_loop3A_9 step %parallel_loop3A_10  : i32 {
      %parallel_loop3A_14 = arith.constant 16 : i32
      %parallel_loop3A_15 = arith.muli %parallel_loop3A_13, %parallel_loop3A_14 : i32
      %parallel_loop3A_16 = arith.index_cast %parallel_loop3A_15 : i32 to index
      %parallel_loop3A_17 = tpu.vector_load %arg7[%parallel_loop3A_16] {strides = array<i32>} : memref<1024xi32, #tpu.memory_space<vmem>>, vector<16xi32>,
      %parallel_loop3A_18 = arith.constant 3 : i32
      %parallel_loop3A_19 = vector.broadcast %parallel_loop3A_18 : i32 to vector<16xi32>
      %parallel_loop3A_20 = arith.muli %parallel_loop3A_17, %parallel_loop3A_19 : vector<16xi32>
      %parallel_loop3A_21 = arith.constant 16 : i32
      %parallel_loop3A_22 = arith.muli %parallel_loop3A_13, %parallel_loop3A_21 : i32
      %parallel_loop3A_23 = arith.index_cast %parallel_loop3A_22 : i32 to index
      %parallel_loop3A_24 = tpu.vector_load %arg8[%parallel_loop3A_23] {strides = array<i32>} : memref<1024xi32, #tpu.memory_space<vmem>>, vector<16xi32>,
      %parallel_loop3A_25 = arith.constant 3 : i32
      %parallel_loop3A_26 = vector.broadcast %parallel_loop3A_25 : i32 to vector<16xi32>
      %parallel_loop3A_27 = arith.muli %parallel_loop3A_24, %parallel_loop3A_26 : vector<16xi32>
      %parallel_loop3A_28 = arith.constant 3 : i32
      %parallel_loop3A_29 = vector.broadcast %parallel_loop3A_28 : i32 to vector<16xi32>
      %parallel_loop3A_30 = arith.muli %iota3A, %parallel_loop3A_29 : vector<16xi32>
      %parallel_loop3A_31 = arith.constant 48 : i32
      %parallel_loop3A_32 = arith.muli %parallel_loop3A_13, %parallel_loop3A_31 : i32
      %parallel_loop3A_33 = vector.broadcast %parallel_loop3A_32 : i32 to vector<16xi32>
      %parallel_loop3A_34 = arith.addi %parallel_loop3A_30, %parallel_loop3A_33 : vector<16xi32>
      %parallel_loop3A_35 = arith.constant 0 : i32
      %parallel_loop3A_36 = vector.broadcast %parallel_loop3A_35 : i32 to vector<16xi32>
      %parallel_loop3A_37 = arith.addi %parallel_loop3A_20, %parallel_loop3A_36 : vector<16xi32>
      %parallel_loop3A_38 = tpu.vector_load_idx %arg9[%parallel_loop3A_37] : memref<300xf32, #tpu.memory_space<vmem>>[vector<16xi32>], vector<16xf32>,
      %parallel_loop3A_39 = arith.constant 0 : i32
      %parallel_loop3A_40 = vector.broadcast %parallel_loop3A_39 : i32 to vector<16xi32>
      %parallel_loop3A_41 = arith.addi %parallel_loop3A_27, %parallel_loop3A_40 : vector<16xi32>
      %parallel_loop3A_42 = tpu.vector_load_idx %arg10[%parallel_loop3A_41] : memref<300xf32, #tpu.memory_space<vmem>>[vector<16xi32>], vector<16xf32>,
      %parallel_loop3A_43 = arith.addf %parallel_loop3A_38, %parallel_loop3A_42 : vector<16xf32>
      %parallel_loop3A_44 = arith.constant 0 : i32
      %parallel_loop3A_45 = vector.broadcast %parallel_loop3A_44 : i32 to vector<16xi32>
      %parallel_loop3A_46 = arith.addi %parallel_loop3A_34, %parallel_loop3A_45 : vector<16xi32>
      tpu.vector_store_idx %arg11[%parallel_loop3A_46], %parallel_loop3A_43 : memref<3072xf32, #tpu.memory_space<vmem>>[vector<16xi32>], vector<16xf32>,
      %parallel_loop3A_47 = arith.constant 1 : i32
      %parallel_loop3A_48 = vector.broadcast %parallel_loop3A_47 : i32 to vector<16xi32>
      %parallel_loop3A_49 = arith.addi %parallel_loop3A_20, %parallel_loop3A_48 : vector<16xi32>
      %parallel_loop3A_50 = tpu.vector_load_idx %arg9[%parallel_loop3A_49] : memref<300xf32, #tpu.memory_space<vmem>>[vector<16xi32>], vector<16xf32>,
      %parallel_loop3A_51 = arith.constant 1 : i32
      %parallel_loop3A_52 = vector.broadcast %parallel_loop3A_51 : i32 to vector<16xi32>
      %parallel_loop3A_53 = arith.addi %parallel_loop3A_27, %parallel_loop3A_52 : vector<16xi32>
      %parallel_loop3A_54 = tpu.vector_load_idx %arg10[%parallel_loop3A_53] : memref<300xf32, #tpu.memory_space<vmem>>[vector<16xi32>], vector<16xf32>,
      %parallel_loop3A_55 = arith.addf %parallel_loop3A_50, %parallel_loop3A_54 : vector<16xf32>
      %parallel_loop3A_56 = arith.constant 1 : i32
      %parallel_loop3A_57 = vector.broadcast %parallel_loop3A_56 : i32 to vector<16xi32>
      %parallel_loop3A_58 = arith.addi %parallel_loop3A_34, %parallel_loop3A_57 : vector<16xi32>
      tpu.vector_store_idx %arg11[%parallel_loop3A_58], %parallel_loop3A_55 : memref<3072xf32, #tpu.memory_space<vmem>>[vector<16xi32>], vector<16xf32>,
      %parallel_loop3A_59 = arith.constant 2 : i32
      %parallel_loop3A_60 = vector.broadcast %parallel_loop3A_59 : i32 to vector<16xi32>
      %parallel_loop3A_61 = arith.addi %parallel_loop3A_20, %parallel_loop3A_60 : vector<16xi32>
      %parallel_loop3A_62 = tpu.vector_load_idx %arg9[%parallel_loop3A_61] : memref<300xf32, #tpu.memory_space<vmem>>[vector<16xi32>], vector<16xf32>,
      %parallel_loop3A_63 = arith.constant 2 : i32
      %parallel_loop3A_64 = vector.broadcast %parallel_loop3A_63 : i32 to vector<16xi32>
      %parallel_loop3A_65 = arith.addi %parallel_loop3A_27, %parallel_loop3A_64 : vector<16xi32>
      %parallel_loop3A_66 = tpu.vector_load_idx %arg10[%parallel_loop3A_65] : memref<300xf32, #tpu.memory_space<vmem>>[vector<16xi32>], vector<16xf32>,
      %parallel_loop3A_67 = arith.addf %parallel_loop3A_62, %parallel_loop3A_66 : vector<16xf32>
      %parallel_loop3A_68 = arith.constant 2 : i32
      %parallel_loop3A_69 = vector.broadcast %parallel_loop3A_68 : i32 to vector<16xi32>
      %parallel_loop3A_70 = arith.addi %parallel_loop3A_34, %parallel_loop3A_69 : vector<16xi32>
      tpu.vector_store_idx %arg11[%parallel_loop3A_70], %parallel_loop3A_67 : memref<3072xf32, #tpu.memory_space<vmem>>[vector<16xi32>], vector<16xf32>,
    } {sc.loop_unroll_factor = 4 : i64, sc.parallel_access}
    %mul3A_11 = arith.constant 3072 : i32
    %mul3A_12 = arith.muli %add3A, %mul3A_11 : i32
    "tpu.region"() ({
      %run_scoped3A = tpu.sem_alloc : memref<!tpu.dma_semaphore, #tpu.memory_space<semaphore_mem>>
      %dma_start3A_13 = tpu.memref_slice %arg6[%mul3A_12] : memref<49152xf32, #tpu.memory_space<hbm>> -> memref<3072xf32, #tpu.memory_space<hbm>>
      %dma_start3A_14 = tpu.memref_slice %arg6[%mul3A_12] : memref<49152xf32, #tpu.memory_space<hbm>> -> memref<3072xf32, #tpu.memory_space<hbm>>
      tpu.enqueue_dma source(%arg11 : memref<3072xf32, #tpu.memory_space<vmem>>) target(%dma_start3A_14 : memref<3072xf32, #tpu.memory_space<hbm>>) target_semaphore(%run_scoped3A : memref<!tpu.dma_semaphore, #tpu.memory_space<semaphore_mem>>)
      %dma_wait3A_15 = tpu.memref_slice %arg6[%mul3A_12] : memref<49152xf32, #tpu.memory_space<hbm>> -> memref<3072xf32, #tpu.memory_space<hbm>>
      %dma_wait3A_16 = tpu.memref_slice %arg6[%mul3A_12] : memref<49152xf32, #tpu.memory_space<hbm>> -> memref<3072xf32, #tpu.memory_space<hbm>>
      tpu.wait_dma2 semaphore(%run_scoped3A : memref<!tpu.dma_semaphore, #tpu.memory_space<semaphore_mem>>) src(%arg11 : memref<3072xf32, #tpu.memory_space<vmem>>) dst(%dma_wait3A_16 : memref<3072xf32, #tpu.memory_space<hbm>>)
      tpu.yield
    }) : () -> ()
    return
  }
}

</mosaic_0001>

<sc_bundles>
// kernel: kernel.3.cloned.1.call-start
scs
__scs_entry_jumppad:
0x0: {  	(pc) =	sbr.rel $0x88, $3  }
0x1: {  	(tag) =	ssettag $0x0;
	lr =	simm.s32 $0x1  }
0x2: {  	[smem:$0x3F9D] =	sst lr;
	_ =	strace $0xD0000000  }
0x3: {  	_ = 	snop  }
0x4: {  	_ = 	snop  }
0x5: {  	_ = 	snop  }
0x6: {  	_ = 	snop  }
0x7: {  	_ = 	snop  }
__scs_overlays_trampoline_lowered:
0x8: {  	[smem:$0x3FAC] =	sst s0  }
0x9: {  	[smem:$0x3FAD] =	sst s1  }
0xa: {  	[smem:$0x3FAE] =	sst s2  }
0xb: {  	[smem:$0x3FAF] =	sst s3  }
0xc: {  	[smem:$0x3FB0] =	sst s4  }
0xd: {  	[smem:$0x3FB1] =	sst s5  }
0xe: {  	[smem:$0x3FB2] =	sst s6  }
0xf: {  	[smem:$0x3FB3] =	sst s7  }
0x10: {  	[smem:$0x3FB4] =	sst s8  }
0x11: {  	[smem:$0x3FB5] =	sst s9;
	s0 =	simm.s32 @!p0 $0x0  }
0x12: {  	s1 =	sld [smem:$0x3F9B];
	s0 =	simm.s32 @p0 $0x1  }
0x13: {  	[smem:$0x3FB6] =	sst s0;
	s0 =	simm.s32 @!p1 $0x0  }
0x14: {  	s2 =	sld [smem:$0x3F9A];
	s0 =	simm.s32 @p1 $0x1  }
0x15: {  	[smem:$0x3FB7] =	sst s0;
	s0 =	simm.s32 @!p2 $0x0  }
0x16: {  	s3 =	sld [smem:$0x3FDB];
	s0 =	simm.s32 @p2 $0x1  }
0x17: {  	s4 =	simm.s32 $0x1BF5;
	[smem:$0x3FB9] =	sst s0  }
0x18: {  	s0 =	sld [smem:$0x3F9C];
	_ =	swait.ge [sflag:s4], $0x0  }
0x19: {  	s7 =	sld [smem:$0x3F9D]  }
0x1a: {  	s8 =	sadd.s32 $0xFFFFE003, lr  }
0x1b: {  	s9 =	sadd.s32 $0xFFFFFEF7, lr;
	s5 =	simm.s32 $0xFFFFFFFF;
	p2 =	slt.u32 s8, $0xFFFFF086  }
0x1c: {  	p1 =	slt.u32 s9, $0xF7A;
	s5 =	simm.s32 @!p2 $0x0  }
0x1d: {  	s5 =	simm.s32 @p1 $0x1;
	p0 =	seq.s32 s7, s2  }
0x1e: {  	s7 =	smul.u32 @!p0 $0xF7A, s2;
	p2 =	seq.s32 @!p0 s5, $0x0  }
0x1f: {  	s9 =	smul.u32 $0xF7A, s1;
	s8 =	simm.s32 @!p0 $0x1BF5;
	p2 =	por !p2, p0  }
0x20: {  	[sflag:s8] =	ssyncset.s32 @!p0 $0xFFFFF086;
	s6 =	sadd.s32 @!p0 s3, s7;
	s7 =	simm.s32 @!p0 $0x108  }
0x21: {  	s3 =	sadd.s32 s3, s9;
	s6 =	sadd.s32 @!p0 $0x88, s6;
	s7 =	simm.s32 @p2 $0x1082  }
0x22: {  	[simem:s7], [sflag:s8] =	dma.local @!p0 [hbm:s6], $0xF7A  }
0x23: {  	s9 =	sor.u32 $0xD0000000, s2;
	s6 =	simm.s32 $0x108;
	_ =	swait.ge @!p0 [sflag:s8], $0x0  }
0x24: {  	s3 =	sadd.s32 $0x88, s3;
	s6 =	simm.s32 @!p1 $0x1082;
	[sflag:s4] =	ssyncset.s32 $0xFFFFF086  }
0x25: {  	[simem:s6], [sflag:s4] =	dma.local [hbm:s3], $0xF7A  }
0x26: {  	[smem:$0x3F9D] =	sst s1;
	(tag) =	ssettag s2;
	_ =	strace s9  }
0x27: {  	s1 =	sld [smem:$0x3FAD]  }
0x28: {  	s2 =	sld [smem:$0x3FAE]  }
0x29: {  	s4 =	sld [smem:$0x3FB0]  }
0x2a: {  	p0 =	seq.s32 s5, $0x0;
	s5 =	sld [smem:$0x3FB1]  }
0x2b: {  	s6 =	sld [smem:$0x3FB2]  }
0x2c: {  	s7 =	sld [smem:$0x3FB3]  }
0x2d: {  	s3 =	simm.s32 $0x108;
	s8 =	sld [smem:$0x3FB4]  }
0x2e: {  	s3 =	simm.s32 @!p0 $0x1082;
	s9 =	sld [smem:$0x3FB5]  }
0x2f: {  	lr =	sadd.s32 s0, s3;
	s0 =	sld [smem:$0x3FAC]  }
0x30: {  	s3 =	sld [smem:$0x3FAF]  }
0x31: {  	[smem:$0x3FB8] =	sst s10  }
0x32: {  	s10 =	sld [smem:$0x3FB6];
	_ =	sdelay $0x3  }
0x33: {  	p0 =	seq.s32 s10, $0x1;
	s10 =	sld [smem:$0x3FB8];
	_ =	sdelay $0x3  }
0x34: {  	[smem:$0x3FB8] =	sst s10  }
0x35: {  	s10 =	sld [smem:$0x3FB7];
	_ =	sdelay $0x3  }
0x36: {  	p1 =	seq.s32 s10, $0x1;
	s10 =	sld [smem:$0x3FB8];
	_ =	sdelay $0x3  }
0x37: {  	[smem:$0x3FB8] =	sst s10  }
0x38: {  	s10 =	sld [smem:$0x3FB9]  }
0x39: {  	_ = 	snop;
	(pc) =	sbr.ind lr, $3  }
0x3a: {  	_ = 	snop  }
0x3b: {  	_ = 	snop  }
0x3c: {  	p2 =	seq.s32 s10, $0x1;
	s10 =	sld [smem:$0x3FB8]  }
0x3d: {  	_ =	shalt  }
0x3e: {  	_ =	shalt  }
0x3f: {  	_ =	shalt  }
0x40: {  	_ =	shalt  }
0x41: {  	_ =	shalt  }
0x42: {  	_ =	shalt  }
0x43: {  	_ =	shalt  }
0x44: {  	_ =	shalt  }
0x45: {  	_ =	shalt  }
0x46: {  	_ =	shalt  }
0x47: {  	_ =	shalt  }
0x48: {  	_ =	shalt  }
0x49: {  	_ =	shalt  }
0x4a: {  	_ =	shalt  }
0x4b: {  	_ =	shalt  }
0x4c: {  	_ =	shalt  }
0x4d: {  	_ =	shalt  }
0x4e: {  	_ =	shalt  }
0x4f: {  	_ =	shalt  }
0x50: {  	_ =	shalt  }
0x51: {  	_ =	shalt  }
0x52: {  	_ =	shalt  }
0x53: {  	_ =	shalt  }
0x54: {  	_ =	shalt  }
0x55: {  	_ =	shalt  }
0x56: {  	_ =	shalt  }
0x57: {  	_ =	shalt  }
0x58: {  	_ =	shalt  }
0x59: {  	_ =	shalt  }
0x5a: {  	_ =	shalt  }
0x5b: {  	_ =	shalt  }
0x5c: {  	_ =	shalt  }
0x5d: {  	_ =	shalt  }
0x5e: {  	_ =	shalt  }
0x5f: {  	_ =	shalt  }
0x60: {  	_ =	shalt  }
0x61: {  	_ =	shalt  }
0x62: {  	_ =	shalt  }
0x63: {  	_ =	shalt  }
0x64: {  	_ =	shalt  }
0x65: {  	_ =	shalt  }
0x66: {  	_ =	shalt  }
0x67: {  	_ =	shalt  }
0x68: {  	_ =	shalt  }
0x69: {  	_ =	shalt  }
0x6a: {  	_ =	shalt  }
0x6b: {  	_ =	shalt  }
0x6c: {  	_ =	shalt  }
0x6d: {  	_ =	shalt  }
0x6e: {  	_ =	shalt  }
0x6f: {  	_ =	shalt  }
0x70: {  	_ =	shalt  }
0x71: {  	_ =	shalt  }
0x72: {  	_ =	shalt  }
0x73: {  	_ =	shalt  }
0x74: {  	_ =	shalt  }
0x75: {  	_ =	shalt  }
0x76: {  	_ =	shalt  }
0x77: {  	_ =	shalt  }
0x78: {  	_ =	shalt  }
0x79: {  	_ =	shalt  }
0x7a: {  	_ =	shalt  }
0x7b: {  	_ =	shalt  }
0x7c: {  	_ =	shalt  }
0x7d: {  	_ =	shalt  }
0x7e: {  	_ =	shalt  }
0x7f: {  	_ =	shalt  }
0x80: {  	_ =	shalt  }
0x81: {  	_ =	shalt  }
0x82: {  	_ =	shalt  }
0x83: {  	_ =	shalt  }
0x84: {  	_ =	shalt  }
0x85: {  	_ =	shalt  }
0x86: {  	_ =	shalt  }
0x87: {  	_ =	shalt  }
.Lfunc_end0:
.L_simem_size_0:
called_computation_lowered:
.L_overlay_start_0:
0x88: {  	s0 =	sld [smem:$0x3FD9]  }
0x89: {  	s1 =	sld [smem:$0x3FFE];
	_ =	sdelay $0x3  }
0x8a: {  	s0 =	sadd.s32 s1, s0  }
0x8b: {  	[smem:$0x3FC4] =	sst s0  }
0x8c: {  	_ = 	snop  }
0x8d: {  	s0 =	sld [smem:$0x3FC9]  }
0x8e: {  	s16 =	sld [smem:$0x3FC8]  }
0x8f: {  	s2 =	sld [smem:$0x3FD0];
	(tm) =	ssettm $0x1  }
0x90: {  	s3 =	sld [smem:$0x3FFB];
	_ =	sdelay $0x3  }
0x91: {  	_ =	strace s3  }
0x92: {  	s3 =	sld [smem:$0x3FFC];
	_ =	sdelay $0x3  }
0x93: {  	_ =	strace s3  }
0x94: {  	s3 =	sld [smem:$0x3FFD];
	_ =	sdelay $0x3  }
0x95: {  	_ =	strace s3  }
0x96: {  	_ =	strace $0x8FFFFFFF  }
0x97: {  	s17 =	sld [smem:$0x3FDB];
	_ =	sdelay $0x1  }
0x98: {  	s4 =	simm.s32 $_scs_section_size  }
0x99: {  	s5 =	simm.s32 $_size__tile_overlayer_lowered;
	s6 =	simm.s32 $_tile_overlayer_lowered  }
0x9a: {  	s20 =	simm.s32 $0x1BFF;
	s19 =	sshll.u32 s6, $0x1;
	s3 =	sadd.s32 s4, s17  }
0x9b: {  	s7 =	simm.s32 $0x0;
	s18 =	sshll.u32 s5, $0x1;
	s5 =	sadd.s32 s19, s3  }
0x9c: {  	[timem:s7], [sflag:s20] =	dma.local [hbm:s5], s18  }
0x9d: {  	_ =	swait.ge [sflag:s20], s18  }
0x9e: {  	s4 =	ssub.s32 $0x0, s18;
	[sflag:s20] =	ssyncset.done $0x0  }
0x9f: {  	[sflag:s20] =	ssyncadd.s32 s4;
	_ =	sdelay $0x1  }
0xa0: {  	s21 =	simm.s32 $0x1B8B  }
0xa1: {  	_ =	swait.ge [sflag:s21], $0x1  }
0xa2: {  	[sflag:s21] =	ssyncset.done $0x0  }
0xa3: {  	s23 =	simm.s32 $0x1B8E;
	s22 =	sld [smem:$0x3FFE];
	[sflag:s21] =	ssyncadd.s32 $0xFFFFFFFF  }
0xa4: {  	s24 =	simm.s32 $execute0_lowered;
	[smem:$0x3FD2] =	sst s23  }
0xa5: {  	s5 =	sshll.u32 s24, $0x1;
	_ =	strace $0x80000046;
	[dreg:$0x1] =	wrdreg $0xFFFFFFFF  }
0xa6: {  	s25 =	simm.s32 $_size_execute0_lowered;
	s3 =	sadd.s32 s3, s5;
	[dreg:$0x0] =	wrdreg $0x0  }
0xa7: {  	s5 =	sshll.u32 s25, $0x1;
	[dreg:$0x2] =	wrdreg s3  }
0xa8: {  	[dreg:$0x3] =	wrdreg s5  }
0xa9: {  	[dreg:$0x4] =	wrdreg $0xC0  }
0xaa: {  	_ =	task [dreg:s7], $0x5FFFF  }
0xab: {  	[dreg:$0x1] =	wrdreg $0xFFFFFFFF  }
0xac: {  	[dreg:$0x0] =	wrdreg $0x60  }
0xad: {  	[dreg:$0x2] =	wrdreg s22  }
0xae: {  	[dreg:$0x3] =	wrdreg s0  }
0xaf: {  	[dreg:$0x4] =	wrdreg s16  }
0xb0: {  	[dreg:$0x5] =	wrdreg s2  }
0xb1: {  	[dreg:$0x6] =	wrdreg $0x9  }
0xb2: {  	_ =	task.clear_ibuf [dreg:s7], $0x7FFFF;
	_ =	strace $0x90000046  }
0xb3: {  	s26 =	simm.s32 $0x9;
	_ =	strace $0x80000048  }
0xb4: {  	_ =	swait.ge [sflag:s26], $0x1  }
0xb5: {  	[sflag:s26] =	ssyncadd.s32 $0xFFFFFFFF  }
0xb6: {  	_ =	strace $0x90000048  }
0xb7: {  	_ =	sfence  }
0xb8: {  	s28 =	sld [smem:$0x0];
	_ =	sdelay $0x1  }
0xb9: {  	s29 =	srdreg.scid  }
0xba: {  	s30 =	sshll.u32 s29, $0xD;
	s31 =	sshrl.u32 s29, $0x2  }
0xbb: {  	s1 =	sand.u32 $0x1, s29;
	s2 =	sand.u32 $0x4000, s30;
	s0 =	sadd.s32 s31, s28  }
0xbc: {  	s1 =	sor.u32 s2, s1;
	s0 =	sshll.u32 s0, $0x11  }
0xbd: {  	s0 =	sor.u32 s0, s1  }
0xbe: {  	s0 =	sadd.s32 $0x8F2B, s0  }
0xbf: {  	[sflag:s0] =	ssyncadd.remote.s32 $0x1  }
0xc0: {  	_ =	sfence.sel $0xFFFF  }
0xc1: {  	[dreg:$0x0] =	wrdreg $0xFFFFFFFF;
	(pc) =	sbr.abs _section_cstart, $3  }
0xc2: {  	[dreg:$0x1] =	wrdreg $0xFFFFFFFF  }
0xc3: {  	_ =	task.clear_ibuf [dreg:s7], $0x2FFFF;
	_ =	strace $0x9FFFFFFF  }
0xc4: {  	(tm) =	ssettm $0x7FFFFFFF  }
0xc5: {  	_ =	shalt  }
tec
execute0_lowered:
.L_overlay_start_1:
0x0: {  	(tag) =	ssettag $0x1  }
0x1: {  	s4 =	rddreg [dreg:$0x0]  }
0x2: {  	s3 =	rddreg [dreg:$0x1]  }
0x3: {  	s5 =	rddreg [dreg:$0x2]  }
0x4: {  	s2 =	rddreg [dreg:$0x3];
	s7 =	simm.s32 $0x0;
	s1 =	stileid.u32  }
0x5: {  	[smem:$0x7FF] =	sst s7;
	s6 =	sshll.u32 s1, $0x7  }
0x6: {  	s0 =	rddreg [dreg:$0x4];
	_ =	strace $0x80000047;
	s3 =	sadd.s32 s3, s6  }
0x7: {  	[tilespmem:s7], [sflag:$0x1] =	stream.linear.gather [hbm4b:s3+s7], $0x400, $0x38;
	[tilespmem:$0x1700] =	vst v63  }
0x8: {  	s20 =	simm.s32 $0x400;
	s19 =	sadd.s32 s5, s6  }
0x9: {  	[tilespmem:s20], [sflag:$0x2] =	stream.linear.gather [hbm4b:s19+s7], $0x400, $0x38;
	[tilespmem:$0x1700] =	vst v63  }
0xa: {  	s21 =	sadd.s32 $0x400, s4;
	s3 =	simm.s32 $0x800  }
0xb: {  	[tilespmem:s3], [sflag:$0x3] =	stream.linear.gather [hbm4b:s21+s7], $0x180, $0x38;
	[tilespmem:$0x1700] =	vst v63  }
0xc: {  	s23 =	simm.s32 $0x3;
	s22 =	sadd.s32 $0x600, s4;
	s4 =	simm.s32 $0x980  }
0xd: {  	[tilespmem:s4], [sflag:$0x4] =	stream.linear.gather [hbm4b:s22+s7], $0x180, $0x38;
	[tilespmem:$0x1700] =	vst v63  }
0xe: {  	_ =	swait.ge [sflag:s23], $0x180  }
0xf: {  	[sflag:s23] =	ssyncset.done $0x0  }
0x10: {  	s24 =	simm.s32 $0x4;
	[sflag:s23] =	ssyncadd.s32 $0xFFFFFE80  }
0x11: {  	_ =	swait.ge [sflag:s24], $0x180  }
0x12: {  	[sflag:s24] =	ssyncset.done $0x0  }
0x13: {  	s25 =	simm.s32 $0x1;
	[sflag:s24] =	ssyncadd.s32 $0xFFFFFE80  }
0x14: {  	_ =	swait.ge [sflag:s25], $0x400  }
0x15: {  	[sflag:s25] =	ssyncset.done $0x0  }
0x16: {  	s26 =	simm.s32 $0x2;
	[sflag:s25] =	ssyncadd.s32 $0xFFFFFC00  }
0x17: {  	_ =	swait.ge [sflag:s26], $0x400  }
0x18: {  	[sflag:s26] =	ssyncset.done $0x0  }
0x19: {  	s28 =	simm.s32 $0x20;
	[sflag:s26] =	ssyncadd.s32 $0xFFFFFC00  }
0x1a: {  	s29 =	simm.s32 $0x420;
	v0 =	vld [tilespmem:s28+$0x10]  }
0x1b: {  	v1 =	vld [tilespmem:s29+$0x10]  }
0x1c: {  	v2 =	vld [tilespmem:s29+$0xFFFFFFE0]  }
0x1d: {  	v3 =	vld [tilespmem:s28+$0xFFFFFFF0]  }
0x1e: {  	v4 =	vld [tilespmem:s29+$0xFFFFFFF0]  }
0x1f: {  	v5 =	vld [tilespmem:s28+$0x0];
	v6 =	vmul.u32 $0x3, v0  }
0x20: {  	v0 =	vld [tilespmem:s29+$0x0];
	v7 =	vmul.u32 $0x3, v1  }
0x21: {  	v1 =	vld [tilespmem:s28+$0xFFFFFFE0]  }
0x22: {  	v3 =	vmul.u32 $0x3, v3  }
0x23: {  	v4 =	vmul.u32 $0x3, v4  }
0x24: {  	v2 =	vmul.u32 $0x3, v2  }
0x25: {  	v5 =	vmul.u32 $0x3, v5;
	v8 =	vmul.u32 $0x3, v0;
	v0 =	vlaneseq.u32;
	v9 =	vld.idx.msk [tilespmem:v6+s3+$0x0], $0xffff  }
0x26: {  	v10 =	vmul.u32 $0x3, v1;
	v1 =	vld.idx.msk [tilespmem:v7+s4+$0x0], $0xffff;
	v0 =	vmul.u32 $0x3, v0  }
0x27: {  	s9 =	simm.s32 $0x90  }
0x28: {  	v12 =	vld.idx.msk [tilespmem:v3+s3+$0x0], $0xffff;
	v14 =	vadd.s32 s9, v0  }
0x29: {  	v16 =	vadd.s32 $0x1, v6;
	v13 =	vld.idx.msk [tilespmem:v4+s4+$0x0], $0xffff  }
0x2a: {  	s10 =	simm.s32 $0x30;
	v19 =	vadd.s32 $0x1, v7;
	v11 =	vld.idx.msk [tilespmem:v2+s4+$0x0], $0xffff  }
0x2b: {  	v15 =	vld.idx.msk [tilespmem:v5+s3+$0x0], $0xffff;
	v17 =	vadd.s32 s10, v0;
	v1 =	vadd.f32 v1, v9  }
0x2c: {  	s5 =	simm.s32 $0xB00;
	v20 =	vadd.s32 $0x1, v3;
	v18 =	vld.idx.msk [tilespmem:v8+s4+$0x0], $0xffff  }
0x2d: {  	v21 =	vld.idx.msk [tilespmem:v10+s3+$0x0], $0xffff;
	v9 =	vadd.s32 $0x1, v4;
	[tilespmem:v14+s5+$0x0] =	vst.idx.msk $0xffff, v1  }
0x2e: {  	s11 =	simm.s32 $0x60;
	v1 =	vadd.f32 v13, v12;
	v13 =	vld.idx.msk [tilespmem:v16+s3+$0x0], $0xffff  }
0x2f: {  	s6 =	simm.s32 $0x460;
	v22 =	vadd.s32 s11, v0;
	v16 =	vld.idx.msk [tilespmem:v19+s4+$0x0], $0xffff  }
0x30: {  	v23 =	vadd.s32 $0x1, v5;
	v24 =	vor.u32 s7, v0;
	v19 =	vld [tilespmem:s6+$0xFFFFFFE0];
	[tilespmem:v17+s5+$0x0] =	vst.idx.msk $0xffff, v1  }
0x31: {  	v12 =	vadd.s32 $0x1, v10;
	v15 =	vadd.f32 v18, v15;
	v18 =	vld.idx.msk [tilespmem:v20+s3+$0x0], $0xffff  }
0x32: {  	s8 =	simm.s32 $0x60;
	v14 =	vadd.s32 $0x1, v2;
	v9 =	vld.idx.msk [tilespmem:v9+s4+$0x0], $0xffff  }
0x33: {  	v17 =	vadd.s32 $0x1, v8;
	v11 =	vadd.f32 v11, v21;
	v20 =	vld [tilespmem:s8+$0xFFFFFFF0]  }
0x34: {  	v1 =	vadd.s32 $0x1, v0;
	[tilespmem:v22+s5+$0x0] =	vst.idx.msk $0xffff, v15;
	v22 =	vld [tilespmem:s6+$0xFFFFFFF0]  }
0x35: {  	v15 =	vadd.s32 s9, v1;
	[tilespmem:v24+s5+$0x0] =	vst.idx.msk $0xffff, v11;
	v11 =	vld.idx.msk [tilespmem:v23+s3+$0x0], $0xffff  }
0x36: {  	v6 =	vadd.s32 $0x2, v6;
	v12 =	vld.idx.msk [tilespmem:v12+s3+$0x0], $0xffff  }
0x37: {  	v7 =	vadd.s32 $0x2, v7;
	v14 =	vld.idx.msk [tilespmem:v14+s4+$0x0], $0xffff  }
0x38: {  	v13 =	vadd.f32 v16, v13;
	v16 =	vld.idx.msk [tilespmem:v17+s4+$0x0], $0xffff  }
0x39: {  	v21 =	vadd.s32 s10, v1;
	v17 =	vld [tilespmem:s8+$0x10]  }
0x3a: {  	v4 =	vadd.s32 $0x2, v4;
	[tilespmem:v15+s5+$0x0] =	vst.idx.msk $0xffff, v13;
	v13 =	vld [tilespmem:s6+$0x10]  }
0x3b: {  	v15 =	vor.u32 s7, v1;
	v6 =	vld.idx.msk [tilespmem:v6+s3+$0x0], $0xffff  }
0x3c: {  	v3 =	vadd.s32 $0x2, v3;
	v24 =	vadd.s32 s11, v1;
	v9 =	vadd.f32 v9, v18;
	v7 =	vld.idx.msk [tilespmem:v7+s4+$0x0], $0xffff  }
0x3d: {  	v5 =	vadd.s32 $0x2, v5;
	v12 =	vadd.f32 v14, v12;
	v14 =	vld [tilespmem:s8+$0x0]  }
0x3e: {  	v2 =	vadd.s32 $0x2, v2;
	[tilespmem:v21+s5+$0x0] =	vst.idx.msk $0xffff, v9;
	v9 =	vmul.u32 $0x3, v22;
	v23 =	vmul.u32 $0x3, v17;
	v17 =	vld [tilespmem:s6+$0x0]  }
0x3f: {  	v37 =	vld.idx.msk [tilespmem:v4+s4+$0x0], $0xffff;
	v11 =	vadd.f32 v16, v11  }
0x40: {  	v25 =	vmul.u32 $0x3, v13;
	[tilespmem:v15+s5+$0x0] =	vst.idx.msk $0xffff, v12;
	v12 =	vld [tilespmem:s8+$0xFFFFFFE0]  }
0x41: {  	[tilespmem:v24+s5+$0x0] =	vst.idx.msk $0xffff, v11;
	v15 =	vmul.u32 $0x3, v20;
	v20 =	vld.idx.msk [tilespmem:v3+s3+$0x0], $0xffff  }
0x42: {  	v60 =	vld.idx.msk [tilespmem:v5+s3+$0x0], $0xffff;
	v14 =	vmul.u32 $0x3, v14  }
0x43: {  	v13 =	vmul.u32 $0x3, v19;
	v19 =	vld.idx.msk [tilespmem:v2+s4+$0x0], $0xffff;
	v18 =	vmul.u32 $0x3, v17  }
0x44: {  	v27 =	vld.idx.msk [tilespmem:v9+s4+$0x0], $0xffff  }
0x45: {  	v10 =	vadd.s32 $0x2, v10;
	v17 =	vld.idx.msk [tilespmem:v23+s3+$0x0], $0xffff  }
0x46: {  	v21 =	vmul.u32 $0x3, v12;
	v12 =	vld.idx.msk [tilespmem:v25+s4+$0x0], $0xffff  }
0x47: {  	s8 =	simm.s32 $0x150;
	v26 =	vld.idx.msk [tilespmem:v15+s3+$0x0], $0xffff  }
0x48: {  	s30 =	simm.s32 $0xF0;
	v8 =	vadd.s32 $0x2, v8;
	v2 =	vadd.s32 $0x2, v0;
	v28 =	vadd.s32 s8, v0;
	v30 =	vld.idx.msk [tilespmem:v14+s3+$0x0], $0xffff  }
0x49: {  	s31 =	simm.s32 $0x120;
	v34 =	vadd.s32 s30, v0;
	v31 =	vadd.s32 $0x1, v23;
	v36 =	vadd.s32 s9, v2;
	v16 =	vld.idx.msk [tilespmem:v18+s4+$0x0], $0xffff  }
0x4a: {  	v40 =	vadd.s32 s31, v0;
	v39 =	vadd.s32 $0x1, v9;
	v10 =	vld.idx.msk [tilespmem:v10+s3+$0x0], $0xffff;
	v32 =	vadd.s32 $0x1, v25  }
0x4b: {  	v24 =	vadd.f32 v7, v6;
	v29 =	vadd.s32 s10, v2;
	v22 =	vld.idx.msk [tilespmem:v13+s4+$0x0], $0xffff;
	v12 =	vadd.f32 v12, v17  }
0x4c: {  	v33 =	vor.u32 s7, v2;
	v38 =	vadd.s32 $0x1, v13;
	v35 =	vld.idx.msk [tilespmem:v21+s3+$0x0], $0xffff;
	v17 =	vadd.s32 $0x1, v15  }
0x4d: {  	v62 =	vld.idx.msk [tilespmem:v8+s4+$0x0], $0xffff;
	s7 =	simm.s32 $0xC0;
	v5 =	vadd.s32 $0x2, v13;
	v41 =	vadd.s32 $0x1, v14;
	v11 =	vadd.f32 v27, v26;
	[tilespmem:v28+s5+$0x0] =	vst.idx.msk $0xffff, v12  }
0x4e: {  	v42 =	vor.u32 s7, v0;
	v63 =	vadd.s32 $0x1, v18;
	[tilespmem:v36+s5+$0x0] =	vst.idx.msk $0xffff, v24;
	v13 =	vadd.f32 v16, v30;
	v26 =	vld.idx.msk [tilespmem:v31+s3+$0x0], $0xffff  }
0x4f: {  	v7 =	vadd.s32 $0x2, v9;
	v20 =	vadd.f32 v37, v20;
	v27 =	vadd.s32 $0x1, v21;
	[tilespmem:v34+s5+$0x0] =	vst.idx.msk $0xffff, v11;
	v61 =	vld.idx.msk [tilespmem:v32+s4+$0x0], $0xffff  }
0x50: {  	v9 =	vadd.s32 $0x2, v18;
	v18 =	vld.idx.msk [tilespmem:v39+s4+$0x0], $0xffff;
	[tilespmem:v40+s5+$0x0] =	vst.idx.msk $0xffff, v13;
	v13 =	vadd.s32 $0x2, v21;
	v21 =	vadd.f32 v19, v10  }
0x51: {  	v6 =	vadd.s32 $0x2, v15;
	[tilespmem:v29+s5+$0x0] =	vst.idx.msk $0xffff, v20;
	v15 =	vadd.f32 v22, v35;
	v17 =	vld.idx.msk [tilespmem:v17+s3+$0x0], $0xffff;
	v22 =	vadd.s32 s8, v1  }
0x52: {  	v3 =	vadd.s32 s11, v2;
	v8 =	vadd.s32 s30, v2;
	v24 =	vadd.s32 $0x2, v23;
	v16 =	vld.idx.msk [tilespmem:v41+s3+$0x0], $0xffff;
	[tilespmem:v33+s5+$0x0] =	vst.idx.msk $0xffff, v21  }
0x53: {  	v4 =	vadd.s32 $0x2, v14;
	v14 =	vadd.s32 s30, v1;
	v20 =	vld.idx.msk [tilespmem:v63+s4+$0x0], $0xffff;
	v21 =	vadd.s32 $0x2, v25;
	[tilespmem:v42+s5+$0x0] =	vst.idx.msk $0xffff, v15  }
0x54: {  	v11 =	vor.u32 s7, v1;
	v12 =	vadd.s32 s31, v1;
	v19 =	vld.idx.msk [tilespmem:v27+s3+$0x0], $0xffff;
	v26 =	vadd.f32 v61, v26  }
0x55: {  	s9 =	simm.s32 $0x4;
	s10 =	simm.s32 $0xA0;
	v10 =	vor.u32 s7, v2;
	v25 =	vadd.f32 v62, v60;
	v15 =	vadd.s32 s31, v2;
	v23 =	vld.idx.msk [tilespmem:v38+s4+$0x0], $0xffff  }
.LBB2_1:
0x56: {  	v27 =	vld [tilespmem:s10+$0x10];
	[tilespmem:v22+s5+$0x0] =	vst.idx.msk $0xffff, v26  }
0x57: {  	v17 =	vadd.f32 v18, v17;
	v18 =	vld.idx.msk [tilespmem:v24+s3+$0x0], $0xffff;
	[tilespmem:v3+s5+$0x0] =	vst.idx.msk $0xffff, v25;
	v3 =	vmov v15  }
0x58: {  	s6 =	sadd.s32 $0x40, s6;
	v15 =	vld.idx.msk [tilespmem:v21+s4+$0x0], $0xffff  }
0x59: {  	v21 =	vld [tilespmem:s6+$0x10];
	[tilespmem:v14+s5+$0x0] =	vst.idx.msk $0xffff, v17  }
0x5a: {  	v17 =	vadd.f32 v23, v19;
	v14 =	vld [tilespmem:s6+$0xFFFFFFE0]  }
0x5b: {  	s9 =	sadd.s32 $0x4, s9;
	v16 =	vadd.f32 v20, v16;
	v20 =	vadd.s32 s8, v2;
	v19 =	vld [tilespmem:s10+$0xFFFFFFF0]  }
0x5c: {  	p0 =	slt.u32 s9, $0x3C;
	v22 =	vld [tilespmem:s6+$0xFFFFFFF0];
	[tilespmem:v11+s5+$0x0] =	vst.idx.msk $0xffff, v17  }
0x5d: {  	v23 =	vmul.u32 $0x3, v27;
	v11 =	vld [tilespmem:s10+$0x0];
	[tilespmem:v12+s5+$0x0] =	vst.idx.msk $0xffff, v16  }
0x5e: {  	v15 =	vadd.f32 v15, v18;
	v12 =	vld [tilespmem:s6+$0x0];
	v21 =	vmul.u32 $0x3, v21  }
0x5f: {  	v16 =	vld [tilespmem:s10+$0xFFFFFFE0];
	v14 =	vmul.u32 $0x3, v14  }
0x60: {  	v17 =	vmul.u32 $0x3, v19;
	v18 =	vld.idx.msk [tilespmem:v13+s3+$0x0], $0xffff;
	[tilespmem:v20+s5+$0x0] =	vst.idx.msk $0xffff, v15  }
0x61: {  	v20 =	vadd.s32 $0x1, v14;
	v13 =	vmul.u32 $0x3, v22;
	v15 =	vld.idx.msk [tilespmem:v5+s4+$0x0], $0xffff;
	v5 =	vadd.s32 $0x2, v14  }
0x62: {  	v19 =	vadd.s32 $0x1, v17;
	v22 =	vmul.u32 $0x3, v11;
	v24 =	vld.idx.msk [tilespmem:v6+s3+$0x0], $0xffff;
	v6 =	vadd.s32 $0x2, v17  }
0x63: {  	v25 =	vadd.s32 $0x1, v13;
	v26 =	vadd.s32 $0x2, v13;
	v27 =	vmul.u32 $0x3, v12;
	v28 =	vld.idx.msk [tilespmem:v23+s3+$0x0], $0xffff  }
0x64: {  	v16 =	vmul.u32 $0x3, v16;
	v29 =	vadd.s32 $0x1, v22;
	v30 =	vadd.s32 $0x2, v22;
	v31 =	vld.idx.msk [tilespmem:v21+s4+$0x0], $0xffff  }
0x65: {  	s7 =	sadd.s32 $0xC0, s7;
	v32 =	vld.idx.msk [tilespmem:v14+s4+$0x0], $0xffff;
	v33 =	vadd.s32 $0x1, v27;
	v34 =	vadd.s32 $0x2, v27  }
0x66: {  	v35 =	vor.u32 s7, v0;
	s11 =	sadd.s32 $0x30, s7;
	s12 =	sadd.s32 $0x60, s7;
	s8 =	sadd.s32 $0x90, s7;
	v11 =	vor.u32 s7, v1;
	v36 =	vadd.s32 $0x1, v16;
	v17 =	vld.idx.msk [tilespmem:v17+s3+$0x0], $0xffff  }
0x67: {  	v37 =	vadd.s32 s11, v0;
	v39 =	vadd.s32 s12, v0;
	v40 =	vadd.s32 s8, v0;
	v38 =	vld.idx.msk [tilespmem:v13+s4+$0x0], $0xffff  }
0x68: {  	v41 =	vadd.s32 $0x1, v23;
	v12 =	vadd.s32 s12, v1;
	v14 =	vadd.s32 s11, v1;
	v22 =	vld.idx.msk [tilespmem:v22+s3+$0x0], $0xffff  }
0x69: {  	v42 =	vadd.s32 $0x1, v21;
	v18 =	vadd.f32 v15, v18;
	v13 =	vadd.s32 $0x2, v16;
	v27 =	vld.idx.msk [tilespmem:v27+s4+$0x0], $0xffff  }
0x6a: {  	v43 =	vadd.s32 s11, v2;
	v15 =	vadd.s32 s12, v2;
	v28 =	vadd.f32 v31, v28;
	v16 =	vld.idx.msk [tilespmem:v16+s3+$0x0], $0xffff  }
0x6b: {  	[tilespmem:v10+s5+$0x0] =	vst.idx.msk $0xffff, v18;
	v10 =	vor.u32 s7, v2;
	v31 =	vld.idx.msk [tilespmem:v7+s4+$0x0], $0xffff;
	v7 =	vmov v26  }
0x6c: {  	[tilespmem:v40+s5+$0x0] =	vst.idx.msk $0xffff, v28;
	v28 =	vld.idx.msk [tilespmem:v4+s3+$0x0], $0xffff;
	v4 =	vmov v30  }
0x6d: {  	v17 =	vadd.f32 v38, v17;
	v26 =	vld.idx.msk [tilespmem:v41+s3+$0x0], $0xffff  }
0x6e: {  	v30 =	vld.idx.msk [tilespmem:v42+s4+$0x0], $0xffff  }
0x6f: {  	v22 =	vadd.f32 v27, v22;
	[tilespmem:v37+s5+$0x0] =	vst.idx.msk $0xffff, v17;
	v27 =	vld.idx.msk [tilespmem:v9+s4+$0x0], $0xffff;
	v9 =	vmov v34  }
0x70: {  	v16 =	vadd.f32 v32, v16;
	v17 =	vld.idx.msk [tilespmem:v19+s3+$0x0], $0xffff  }
.Ltmp0:
0x71: {  	v18 =	vld.idx.msk [tilespmem:v25+s4+$0x0], $0xffff;
	[tilespmem:v39+s5+$0x0] =	vst.idx.msk $0xffff, v22;
	v22 =	vadd.s32 s8, v1;
	v25 =	vadd.f32 v31, v24;
	(pc) =	sbr.rel @p0 .LBB2_1-.Ltmp0, $4  }
0x72: {  	v24 =	vadd.s32 $0x2, v23;
	[tilespmem:v35+s5+$0x0] =	vst.idx.msk $0xffff, v16;
	v16 =	vld.idx.msk [tilespmem:v29+s3+$0x0], $0xffff  }
0x73: {  	v21 =	vadd.s32 $0x2, v21;
	v19 =	vld.idx.msk [tilespmem:v36+s3+$0x0], $0xffff;
	[tilespmem:v8+s5+$0x0] =	vst.idx.msk $0xffff, v25;
	v8 =	vmov v43  }
0x74: {  	v26 =	vadd.f32 v30, v26;
	v23 =	vld.idx.msk [tilespmem:v20+s4+$0x0], $0xffff  }
0x75: {  	s10 =	sadd.s32 $0x40, s10;
	v25 =	vadd.f32 v27, v28;
	v20 =	vld.idx.msk [tilespmem:v33+s4+$0x0], $0xffff  }
0x76: {  	_ =	sdelay $0x3  }
0x77: {  	[tilespmem:v22+s5+$0x0] =	vst.idx.msk $0xffff, v26;
	v17 =	vadd.f32 v18, v17  }
0x78: {  	v1 =	vld.idx.msk [tilespmem:v24+s3+$0x0], $0xffff  }
0x79: {  	v60 =	vld.idx.msk [tilespmem:v21+s4+$0x0], $0xffff;
	[tilespmem:v14+s5+$0x0] =	vst.idx.msk $0xffff, v17;
	v0 =	vadd.f32 v23, v19  }
0x7a: {  	v6 =	vld.idx.msk [tilespmem:v6+s3+$0x0], $0xffff  }
0x7b: {  	v7 =	vld.idx.msk [tilespmem:v7+s4+$0x0], $0xffff;
	v61 =	vadd.f32 v20, v16;
	[tilespmem:v11+s5+$0x0] =	vst.idx.msk $0xffff, v0  }
0x7c: {  	v0 =	vld.idx.msk [tilespmem:v13+s3+$0x0], $0xffff  }
0x7d: {  	v5 =	vld.idx.msk [tilespmem:v5+s4+$0x0], $0xffff;
	[tilespmem:v12+s5+$0x0] =	vst.idx.msk $0xffff, v61  }
0x7e: {  	v2 =	vadd.s32 s8, v2;
	v4 =	vld.idx.msk [tilespmem:v4+s3+$0x0], $0xffff  }
0x7f: {  	v9 =	vld.idx.msk [tilespmem:v9+s4+$0x0], $0xffff;
	_ =	sdelay $0x1  }
0x80: {  	v1 =	vadd.f32 v60, v1  }
0x81: {  	[tilespmem:v3+s5+$0x0] =	vst.idx.msk $0xffff, v25;
	v62 =	vadd.f32 v7, v6  }
0x82: {  	[tilespmem:v2+s5+$0x0] =	vst.idx.msk $0xffff, v1;
	v0 =	vadd.f32 v5, v0  }
0x83: {  	s28 =	smul.u32 $0x180, s1;
	[tilespmem:v8+s5+$0x0] =	vst.idx.msk $0xffff, v62;
	v63 =	vadd.f32 v9, v4  }
0x84: {  	s29 =	simm.s32 $0x0;
	[tilespmem:v10+s5+$0x0] =	vst.idx.msk $0xffff, v0  }
0x85: {  	s30 =	simm.s32 $0xB00;
	s31 =	simm.s32 $0x5;
	s2 =	sadd.s32 s2, s28;
	[tilespmem:v15+s5+$0x0] =	vst.idx.msk $0xffff, v63  }
0x86: {  	[hbm4b:s2+s29] =	stream.linear.scatter [tilespmem:s30], [sflag:$0x5], $0xC00, $0x38;
	[tilespmem:$0x1700] =	vst v63  }
0x87: {  	_ =	swait.ge [sflag:s31], $0xC00  }
0x88: {  	[sflag:s31] =	ssyncset.done $0x0  }
0x89: {  	[sflag:s31] =	ssyncadd.s32 $0xFFFFF400  }
0x8a: {  	_ =	sfence.sel $0x180000  }
0x8b: {  	[bflag:$0x0] =	sbarrier.arrive $0xFFFF  }
0x8c: {  	p0 =	sne.s32 s1, $0x0;
	_ =	strace $0x90000047  }
0x8d: {  	s0 =	sadd.s32 @!p0 $0x100000, s0;
	[bflag:$0x2] =	sbarrier.arrive $0xFFFF  }
0x8e: {  	[sflag:s0] =	ssyncadd.tile.s32 @!p0 $0x1;
	_ =	shalt  }
.Lfunc_end2:
_tile_overlayer_lowered:
.L_overlay_start_2:
0x8f: {  	(tag) =	ssettag $0x2  }
0x90: {  	s0 =	rddreg [dreg:$0x0];
	s2 =	stileid.u32  }
0x91: {  	s1 =	rddreg [dreg:$0x1];
	p0 =	sne.s32 s2, $0x0  }
0x92: {  	s3 =	rddreg [dreg:$0x2];
	[bflag:$0x3] =	sbarrier.arrive $0xFFFF;
	s2 =	simm.s32 @!p0 $0x1C05  }
0x93: {  	[timem:s3], [sflag:s2] =	dma.local @!p0 [hbm:s0], s1  }
0x94: {  	s0 =	simm.s32 @!p0 $0x5  }
0x95: {  	_ =	swait.ge @!p0 [sflag:s0], s1  }
0x96: {  	s1 =	ssub.s32 @!p0 $0x0, s1;
	[sflag:s0] =	ssyncset.done @!p0 $0x0  }
0x97: {  	[sflag:s0] =	ssyncadd.s32 @!p0 s1  }
0x98: {  	[bflag:$0x3] =	sbarrier.arrive $0xFFFF  }
0x99: {  	_ =	shalt  }

</sc_bundles>
